<compile_context>
chip_gen: v7x
topology: tpu7x:2x2x1
jax: 0.10.2.dev20260603
libtpu: 0.0.44.dev20260713+nightly
codegen_flags: <defaults>
</compile_context>

<pallas_src>
import functools

import jax
import jax.numpy as jnp
from jax import lax
from jax.experimental import pallas as pl
from jax.experimental.pallas import tpu as pltpu
from jax.experimental.pallas import tpu_sc as plsc

_N = 7
_MESH = plsc.VectorSubcoreMesh(
    core_axis_name="c", subcore_axis_name="s", num_cores=1
)


@functools.partial(
    pl.kernel,
    out_type=jax.ShapeDtypeStruct((1,), jnp.float32),
    mesh=_MESH,
    scratch_types=[
        pltpu.VMEM((16,), jnp.int32),
        pltpu.VMEM((16,), jnp.float32),
        pltpu.SemaphoreType.DMA,
    ],
)
def _sc_gather(x_hbm, vec_hbm, out_hbm, x_v, val_v, sem):
    sid = lax.axis_index("s")

    @pl.when(sid == 0)
    def _():
        pltpu.sync_copy(x_hbm, x_v.at[pl.ds(0, _N)])
        xv = x_v[...]
        vals = [xv[i] for i in range(_N)]
        acc = jnp.int32(0)
        k = 0
        for i in range(1, _N):
            for j in range(i):
                bit = (vals[i] == vals[j]).astype(jnp.int32)
                acc = acc + bit * jnp.int32(1 << k)
                k += 1
        idx_vec = jnp.full((16,), acc, jnp.int32)
        pltpu.async_copy(vec_hbm.at[idx_vec], val_v, sem).wait()
        pltpu.sync_copy(val_v.at[pl.ds(0, 1)], out_hbm)


def kernel(x, vec):
    out = _sc_gather(x.astype(jnp.int32), vec)
    return out.reshape(())

# --- scband reference (transcript-rebuilt; emitter-appended) ---
"""Pipeline reference for scband-v-su2-exact-41979010351315 (READ-ONLY COPY).

The authoritative reference and input builder live on the scoring server;
editing this copy changes nothing except your own understanding.
"""

import jax, jax.numpy as jnp
import numpy as np

N = 7
M = N * (N - 1) // 2  # 21

def setup_inputs(seed: int = 0) -> dict:
    key = jax.random.key(seed)
    k1, k2 = jax.random.split(key)
    x = jax.random.randint(k1, (N,), 0, 3)
    vec = jax.random.normal(k2, (2 ** M,), dtype=jnp.float32)
    return {"x": x, "vec": vec}

def reference(x, vec):
    n = x.shape[0]
    y = jax.vmap(lambda x_i: x_i == x)(x)
    y = jnp.concatenate([y[i, :i] for i in range(n)])
    y = y.ravel()
    m = y.shape[0]
    idx = jnp.dot(y.astype(jnp.int32), 2 ** jnp.arange(m, dtype=jnp.int32))
    return vec[idx]

if __name__ == "__main__":
    import jax
    _d = setup_inputs()
    print(jax.jit(kernel)(*tuple(_d.values())))

</pallas_src>

<mosaic_0001>
#map = affine_map<(d0, d1) -> (0)>
module attributes {stable_mosaic.version = 14 : i64} {
  func.func @_sc_gather(%arg0: i32, %arg1: i32, %arg2: memref<7xi32, #tpu.memory_space<hbm>>, %arg3: memref<2097152xf32, #tpu.memory_space<hbm>>, %arg4: memref<1xf32, #tpu.memory_space<hbm>>, %arg5: memref<16xi32, #tpu.memory_space<vmem>>, %arg6: memref<16xf32, #tpu.memory_space<vmem>>, %arg7: memref<!tpu.dma_semaphore, #tpu.memory_space<semaphore_mem>>) attributes {dimension_semantics = [#tpu.dimension_semantics<core_parallel>, #tpu.dimension_semantics<subcore_parallel>], iteration_bounds = array<i64: 1, 16>, scalar_prefetch = 0 : i64, scratch_operands = 3 : i64, tpu.core_type = #tpu.core_type<sc_vector_subcore>, window_params = [{transform_indices = #map}, {transform_indices = #map}, {transform_indices = #map}]} {
    %eq3A = arith.constant 0 : i32
    %eq3A_0 = arith.cmpi eq, %arg1, %eq3A : i32
    %convert_element_type3A = arith.extui %eq3A_0 : i1 to i32
    %cond3A = arith.constant 0 : i32
    %cond3A_1 = arith.cmpi ne, %convert_element_type3A, %cond3A : i32
    scf.if %cond3A_1 {
      "tpu.region"() ({
        %run_scoped3A = tpu.sem_alloc : memref<!tpu.dma_semaphore, #tpu.memory_space<semaphore_mem>>
        %dma_start3A_122 = arith.constant 0 : i32
        %dma_start3A_123 = tpu.memref_slice %arg5[%dma_start3A_122] : memref<16xi32, #tpu.memory_space<vmem>> -> memref<7xi32, #tpu.memory_space<vmem>>
        %dma_start3A_124 = arith.constant 0 : i32
        %dma_start3A_125 = tpu.memref_slice %arg5[%dma_start3A_124] : memref<16xi32, #tpu.memory_space<vmem>> -> memref<7xi32, #tpu.memory_space<vmem>>
        tpu.enqueue_dma source(%arg2 : memref<7xi32, #tpu.memory_space<hbm>>) target(%dma_start3A_125 : memref<7xi32, #tpu.memory_space<vmem>>) target_semaphore(%run_scoped3A : memref<!tpu.dma_semaphore, #tpu.memory_space<semaphore_mem>>)
        %dma_wait3A_126 = arith.constant 0 : i32
        %dma_wait3A_127 = tpu.memref_slice %arg5[%dma_wait3A_126] : memref<16xi32, #tpu.memory_space<vmem>> -> memref<7xi32, #tpu.memory_space<vmem>>
        %dma_wait3A_128 = arith.constant 0 : i32
        %dma_wait3A_129 = tpu.memref_slice %arg5[%dma_wait3A_128] : memref<16xi32, #tpu.memory_space<vmem>> -> memref<7xi32, #tpu.memory_space<vmem>>
        tpu.wait_dma2 semaphore(%run_scoped3A : memref<!tpu.dma_semaphore, #tpu.memory_space<semaphore_mem>>) src(%arg2 : memref<7xi32, #tpu.memory_space<hbm>>) dst(%dma_wait3A_129 : memref<7xi32, #tpu.memory_space<vmem>>)
        tpu.yield
      }) : () -> ()
      %get3A = arith.constant 0 : index
      %get3A_2 = tpu.vector_load %arg5[%get3A] {strides = array<i32>} : memref<16xi32, #tpu.memory_space<vmem>>, vector<16xi32>,
      %get3A_3 = vector.shape_cast %get3A_2 : vector<16xi32> to vector<16xi32>
      %slice3A = vector.extract_strided_slice %get3A_3 {offsets = [0], sizes = [1], strides = [1]} : vector<16xi32> to vector<1xi32>
      %squeeze3A = vector.extract %slice3A[0] : i32 from vector<1xi32>
      %slice3A_4 = vector.extract_strided_slice %get3A_3 {offsets = [1], sizes = [1], strides = [1]} : vector<16xi32> to vector<1xi32>
      %squeeze3A_5 = vector.extract %slice3A_4[0] : i32 from vector<1xi32>
      %slice3A_6 = vector.extract_strided_slice %get3A_3 {offsets = [2], sizes = [1], strides = [1]} : vector<16xi32> to vector<1xi32>
      %squeeze3A_7 = vector.extract %slice3A_6[0] : i32 from vector<1xi32>
      %slice3A_8 = vector.extract_strided_slice %get3A_3 {offsets = [3], sizes = [1], strides = [1]} : vector<16xi32> to vector<1xi32>
      %squeeze3A_9 = vector.extract %slice3A_8[0] : i32 from vector<1xi32>
      %slice3A_10 = vector.extract_strided_slice %get3A_3 {offsets = [4], sizes = [1], strides = [1]} : vector<16xi32> to vector<1xi32>
      %squeeze3A_11 = vector.extract %slice3A_10[0] : i32 from vector<1xi32>
      %slice3A_12 = vector.extract_strided_slice %get3A_3 {offsets = [5], sizes = [1], strides = [1]} : vector<16xi32> to vector<1xi32>
      %squeeze3A_13 = vector.extract %slice3A_12[0] : i32 from vector<1xi32>
      %slice3A_14 = vector.extract_strided_slice %get3A_3 {offsets = [6], sizes = [1], strides = [1]} : vector<16xi32> to vector<1xi32>
      %squeeze3A_15 = vector.extract %slice3A_14[0] : i32 from vector<1xi32>
      %eq3A_16 = arith.cmpi eq, %squeeze3A_5, %squeeze3A : i32
      %convert_element_type3A_17 = arith.extui %eq3A_16 : i1 to i32
      %mul3A = arith.constant 1 : i32
      %mul3A_18 = arith.muli %convert_element_type3A_17, %mul3A : i32
      %add3A = arith.constant 0 : i32
      %add3A_19 = arith.addi %add3A, %mul3A_18 : i32
      %eq3A_20 = arith.cmpi eq, %squeeze3A_7, %squeeze3A : i32
      %convert_element_type3A_21 = arith.extui %eq3A_20 : i1 to i32
      %mul3A_22 = arith.constant 2 : i32
      %mul3A_23 = arith.muli %convert_element_type3A_21, %mul3A_22 : i32
      %add3A_24 = arith.addi %add3A_19, %mul3A_23 : i32
      %eq3A_25 = arith.cmpi eq, %squeeze3A_7, %squeeze3A_5 : i32
      %convert_element_type3A_26 = arith.extui %eq3A_25 : i1 to i32
      %mul3A_27 = arith.constant 4 : i32
      %mul3A_28 = arith.muli %convert_element_type3A_26, %mul3A_27 : i32
      %add3A_29 = arith.addi %add3A_24, %mul3A_28 : i32
      %eq3A_30 = arith.cmpi eq, %squeeze3A_9, %squeeze3A : i32
      %convert_element_type3A_31 = arith.extui %eq3A_30 : i1 to i32
      %mul3A_32 = arith.constant 8 : i32
      %mul3A_33 = arith.muli %convert_element_type3A_31, %mul3A_32 : i32
      %add3A_34 = arith.addi %add3A_29, %mul3A_33 : i32
      %eq3A_35 = arith.cmpi eq, %squeeze3A_9, %squeeze3A_5 : i32
      %convert_element_type3A_36 = arith.extui %eq3A_35 : i1 to i32
      %mul3A_37 = arith.constant 16 : i32
      %mul3A_38 = arith.muli %convert_element_type3A_36, %mul3A_37 : i32
      %add3A_39 = arith.addi %add3A_34, %mul3A_38 : i32
      %eq3A_40 = arith.cmpi eq, %squeeze3A_9, %squeeze3A_7 : i32
      %convert_element_type3A_41 = arith.extui %eq3A_40 : i1 to i32
      %mul3A_42 = arith.constant 32 : i32
      %mul3A_43 = arith.muli %convert_element_type3A_41, %mul3A_42 : i32
      %add3A_44 = arith.addi %add3A_39, %mul3A_43 : i32
      %eq3A_45 = arith.cmpi eq, %squeeze3A_11, %squeeze3A : i32
      %convert_element_type3A_46 = arith.extui %eq3A_45 : i1 to i32
      %mul3A_47 = arith.constant 64 : i32
      %mul3A_48 = arith.muli %convert_element_type3A_46, %mul3A_47 : i32
      %add3A_49 = arith.addi %add3A_44, %mul3A_48 : i32
      %eq3A_50 = arith.cmpi eq, %squeeze3A_11, %squeeze3A_5 : i32
      %convert_element_type3A_51 = arith.extui %eq3A_50 : i1 to i32
      %mul3A_52 = arith.constant 128 : i32
      %mul3A_53 = arith.muli %convert_element_type3A_51, %mul3A_52 : i32
      %add3A_54 = arith.addi %add3A_49, %mul3A_53 : i32
      %eq3A_55 = arith.cmpi eq, %squeeze3A_11, %squeeze3A_7 : i32
      %convert_element_type3A_56 = arith.extui %eq3A_55 : i1 to i32
      %mul3A_57 = arith.constant 256 : i32
      %mul3A_58 = arith.muli %convert_element_type3A_56, %mul3A_57 : i32
      %add3A_59 = arith.addi %add3A_54, %mul3A_58 : i32
      %eq3A_60 = arith.cmpi eq, %squeeze3A_11, %squeeze3A_9 : i32
      %convert_element_type3A_61 = arith.extui %eq3A_60 : i1 to i32
      %mul3A_62 = arith.constant 512 : i32
      %mul3A_63 = arith.muli %convert_element_type3A_61, %mul3A_62 : i32
      %add3A_64 = arith.addi %add3A_59, %mul3A_63 : i32
      %eq3A_65 = arith.cmpi eq, %squeeze3A_13, %squeeze3A : i32
      %convert_element_type3A_66 = arith.extui %eq3A_65 : i1 to i32
      %mul3A_67 = arith.constant 1024 : i32
      %mul3A_68 = arith.muli %convert_element_type3A_66, %mul3A_67 : i32
      %add3A_69 = arith.addi %add3A_64, %mul3A_68 : i32
      %eq3A_70 = arith.cmpi eq, %squeeze3A_13, %squeeze3A_5 : i32
      %convert_element_type3A_71 = arith.extui %eq3A_70 : i1 to i32
      %mul3A_72 = arith.constant 2048 : i32
      %mul3A_73 = arith.muli %convert_element_type3A_71, %mul3A_72 : i32
      %add3A_74 = arith.addi %add3A_69, %mul3A_73 : i32
      %eq3A_75 = arith.cmpi eq, %squeeze3A_13, %squeeze3A_7 : i32
      %convert_element_type3A_76 = arith.extui %eq3A_75 : i1 to i32
      %mul3A_77 = arith.constant 4096 : i32
      %mul3A_78 = arith.muli %convert_element_type3A_76, %mul3A_77 : i32
      %add3A_79 = arith.addi %add3A_74, %mul3A_78 : i32
      %eq3A_80 = arith.cmpi eq, %squeeze3A_13, %squeeze3A_9 : i32
      %convert_element_type3A_81 = arith.extui %eq3A_80 : i1 to i32
      %mul3A_82 = arith.constant 8192 : i32
      %mul3A_83 = arith.muli %convert_element_type3A_81, %mul3A_82 : i32
      %add3A_84 = arith.addi %add3A_79, %mul3A_83 : i32
      %eq3A_85 = arith.cmpi eq, %squeeze3A_13, %squeeze3A_11 : i32
      %convert_element_type3A_86 = arith.extui %eq3A_85 : i1 to i32
      %mul3A_87 = arith.constant 16384 : i32
      %mul3A_88 = arith.muli %convert_element_type3A_86, %mul3A_87 : i32
      %add3A_89 = arith.addi %add3A_84, %mul3A_88 : i32
      %eq3A_90 = arith.cmpi eq, %squeeze3A_15, %squeeze3A : i32
      %convert_element_type3A_91 = arith.extui %eq3A_90 : i1 to i32
      %mul3A_92 = arith.constant 32768 : i32
      %mul3A_93 = arith.muli %convert_element_type3A_91, %mul3A_92 : i32
      %add3A_94 = arith.addi %add3A_89, %mul3A_93 : i32
      %eq3A_95 = arith.cmpi eq, %squeeze3A_15, %squeeze3A_5 : i32
      %convert_element_type3A_96 = arith.extui %eq3A_95 : i1 to i32
      %mul3A_97 = arith.constant 65536 : i32
      %mul3A_98 = arith.muli %convert_element_type3A_96, %mul3A_97 : i32
      %add3A_99 = arith.addi %add3A_94, %mul3A_98 : i32
      %eq3A_100 = arith.cmpi eq, %squeeze3A_15, %squeeze3A_7 : i32
      %convert_element_type3A_101 = arith.extui %eq3A_100 : i1 to i32
      %mul3A_102 = arith.constant 131072 : i32
      %mul3A_103 = arith.muli %convert_element_type3A_101, %mul3A_102 : i32
      %add3A_104 = arith.addi %add3A_99, %mul3A_103 : i32
      %eq3A_105 = arith.cmpi eq, %squeeze3A_15, %squeeze3A_9 : i32
      %convert_element_type3A_106 = arith.extui %eq3A_105 : i1 to i32
      %mul3A_107 = arith.constant 262144 : i32
      %mul3A_108 = arith.muli %convert_element_type3A_106, %mul3A_107 : i32
      %add3A_109 = arith.addi %add3A_104, %mul3A_108 : i32
      %eq3A_110 = arith.cmpi eq, %squeeze3A_15, %squeeze3A_11 : i32
      %convert_element_type3A_111 = arith.extui %eq3A_110 : i1 to i32
      %mul3A_112 = arith.constant 524288 : i32
      %mul3A_113 = arith.muli %convert_element_type3A_111, %mul3A_112 : i32
      %add3A_114 = arith.addi %add3A_109, %mul3A_113 : i32
      %eq3A_115 = arith.cmpi eq, %squeeze3A_15, %squeeze3A_13 : i32
      %convert_element_type3A_116 = arith.extui %eq3A_115 : i1 to i32
      %mul3A_117 = arith.constant 1048576 : i32
      %mul3A_118 = arith.muli %convert_element_type3A_116, %mul3A_117 : i32
      %add3A_119 = arith.addi %add3A_114, %mul3A_118 : i32
      %broadcast_in_dim3A = vector.broadcast %add3A_119 : i32 to vector<16xi32>
      %dma_start3A = arith.constant 0 : i32
      %dma_start3A_120 = tpu.memref_slice %arg3[%dma_start3A] : memref<2097152xf32, #tpu.memory_space<hbm>> -> memref<2097152xf32, #tpu.memory_space<hbm>>
      tpu.enqueue_indirect_dma source(%dma_start3A_120 : memref<2097152xf32, #tpu.memory_space<hbm>>) target(%arg6 : memref<16xf32, #tpu.memory_space<vmem>>) offsets(%broadcast_in_dim3A : vector<16xi32>) semaphore(%arg7 : memref<!tpu.dma_semaphore, #tpu.memory_space<semaphore_mem>>)
      %dma_wait3A = arith.constant 0 : i32
      %dma_wait3A_121 = tpu.memref_slice %arg3[%dma_wait3A] : memref<2097152xf32, #tpu.memory_space<hbm>> -> memref<2097152xf32, #tpu.memory_space<hbm>>
      tpu.wait_indirect_dma semaphore(%arg7 : memref<!tpu.dma_semaphore, #tpu.memory_space<semaphore_mem>>) src(%dma_wait3A_121 : memref<2097152xf32, #tpu.memory_space<hbm>>) dst(%arg6 : memref<16xf32, #tpu.memory_space<vmem>>)
      "tpu.region"() ({
        %run_scoped3A = tpu.sem_alloc : memref<!tpu.dma_semaphore, #tpu.memory_space<semaphore_mem>>
        %dma_start3A_122 = arith.constant 0 : i32
        %dma_start3A_123 = tpu.memref_slice %arg6[%dma_start3A_122] : memref<16xf32, #tpu.memory_space<vmem>> -> memref<1xf32, #tpu.memory_space<vmem>>
        %dma_start3A_124 = arith.constant 0 : i32
        %dma_start3A_125 = tpu.memref_slice %arg6[%dma_start3A_124] : memref<16xf32, #tpu.memory_space<vmem>> -> memref<1xf32, #tpu.memory_space<vmem>>
        tpu.enqueue_dma source(%dma_start3A_125 : memref<1xf32, #tpu.memory_space<vmem>>) target(%arg4 : memref<1xf32, #tpu.memory_space<hbm>>) target_semaphore(%run_scoped3A : memref<!tpu.dma_semaphore, #tpu.memory_space<semaphore_mem>>)
        %dma_wait3A_126 = arith.constant 0 : i32
        %dma_wait3A_127 = tpu.memref_slice %arg6[%dma_wait3A_126] : memref<16xf32, #tpu.memory_space<vmem>> -> memref<1xf32, #tpu.memory_space<vmem>>
        %dma_wait3A_128 = arith.constant 0 : i32
        %dma_wait3A_129 = tpu.memref_slice %arg6[%dma_wait3A_128] : memref<16xf32, #tpu.memory_space<vmem>> -> memref<1xf32, #tpu.memory_space<vmem>>
        tpu.wait_dma2 semaphore(%run_scoped3A : memref<!tpu.dma_semaphore, #tpu.memory_space<semaphore_mem>>) src(%dma_wait3A_129 : memref<1xf32, #tpu.memory_space<vmem>>) dst(%arg4 : memref<1xf32, #tpu.memory_space<hbm>>)
        tpu.yield
      }) : () -> ()
    } else {
    }
    return
  }
}

</mosaic_0001>

<sc_bundles>
// kernel: kernel.3.cloned.1.call-start
scs
__scs_entry_jumppad:
0x0: {  	(pc) =	sbr.rel $0x88, $3  }
0x1: {  	(tag) =	ssettag $0x0;
	lr =	simm.s32 $0x1  }
0x2: {  	[smem:$0x3F9F] =	sst lr;
	_ =	strace $0xD0000000  }
0x3: {  	_ = 	snop  }
0x4: {  	_ = 	snop  }
0x5: {  	_ = 	snop  }
0x6: {  	_ = 	snop  }
0x7: {  	_ = 	snop  }
__scs_overlays_trampoline_lowered:
0x8: {  	[smem:$0x3FAE] =	sst s0  }
0x9: {  	[smem:$0x3FAF] =	sst s1  }
0xa: {  	[smem:$0x3FB0] =	sst s2  }
0xb: {  	[smem:$0x3FB1] =	sst s3  }
0xc: {  	[smem:$0x3FB2] =	sst s4  }
0xd: {  	[smem:$0x3FB3] =	sst s5  }
0xe: {  	[smem:$0x3FB4] =	sst s6  }
0xf: {  	[smem:$0x3FB5] =	sst s7  }
0x10: {  	[smem:$0x3FB6] =	sst s8  }
0x11: {  	[smem:$0x3FB7] =	sst s9;
	s0 =	simm.s32 @!p0 $0x0  }
0x12: {  	s1 =	sld [smem:$0x3F9D];
	s0 =	simm.s32 @p0 $0x1  }
0x13: {  	[smem:$0x3FB8] =	sst s0;
	s0 =	simm.s32 @!p1 $0x0  }
0x14: {  	s2 =	sld [smem:$0x3F9C];
	s0 =	simm.s32 @p1 $0x1  }
0x15: {  	[smem:$0x3FB9] =	sst s0;
	s0 =	simm.s32 @!p2 $0x0  }
0x16: {  	s3 =	sld [smem:$0x3FDB];
	s0 =	simm.s32 @p2 $0x1  }
0x17: {  	s4 =	simm.s32 $0x1BF5;
	[smem:$0x3FBB] =	sst s0  }
0x18: {  	s0 =	sld [smem:$0x3F9E];
	_ =	swait.ge [sflag:s4], $0x0  }
0x19: {  	s7 =	sld [smem:$0x3F9F]  }
0x1a: {  	s8 =	sadd.s32 $0xFFFFE003, lr  }
0x1b: {  	s9 =	sadd.s32 $0xFFFFFEF7, lr;
	s5 =	simm.s32 $0xFFFFFFFF;
	p2 =	slt.u32 s8, $0xFFFFF086  }
0x1c: {  	p1 =	slt.u32 s9, $0xF7A;
	s5 =	simm.s32 @!p2 $0x0  }
0x1d: {  	s5 =	simm.s32 @p1 $0x1;
	p0 =	seq.s32 s7, s2  }
0x1e: {  	s7 =	smul.u32 @!p0 $0xF7A, s2;
	p2 =	seq.s32 @!p0 s5, $0x0  }
0x1f: {  	s9 =	smul.u32 $0xF7A, s1;
	s8 =	simm.s32 @!p0 $0x1BF5;
	p2 =	por !p2, p0  }
0x20: {  	[sflag:s8] =	ssyncset.s32 @!p0 $0xFFFFF086;
	s6 =	sadd.s32 @!p0 s3, s7;
	s7 =	simm.s32 @!p0 $0x108  }
0x21: {  	s3 =	sadd.s32 s3, s9;
	s6 =	sadd.s32 @!p0 $0x88, s6;
	s7 =	simm.s32 @p2 $0x1082  }
0x22: {  	[simem:s7], [sflag:s8] =	dma.local @!p0 [hbm:s6], $0xF7A  }
0x23: {  	s9 =	sor.u32 $0xD0000000, s2;
	s6 =	simm.s32 $0x108;
	_ =	swait.ge @!p0 [sflag:s8], $0x0  }
0x24: {  	s3 =	sadd.s32 $0x88, s3;
	s6 =	simm.s32 @!p1 $0x1082;
	[sflag:s4] =	ssyncset.s32 $0xFFFFF086  }
0x25: {  	[simem:s6], [sflag:s4] =	dma.local [hbm:s3], $0xF7A  }
0x26: {  	[smem:$0x3F9F] =	sst s1;
	(tag) =	ssettag s2;
	_ =	strace s9  }
0x27: {  	s1 =	sld [smem:$0x3FAF]  }
0x28: {  	s2 =	sld [smem:$0x3FB0]  }
0x29: {  	s4 =	sld [smem:$0x3FB2]  }
0x2a: {  	p0 =	seq.s32 s5, $0x0;
	s5 =	sld [smem:$0x3FB3]  }
0x2b: {  	s6 =	sld [smem:$0x3FB4]  }
0x2c: {  	s7 =	sld [smem:$0x3FB5]  }
0x2d: {  	s3 =	simm.s32 $0x108;
	s8 =	sld [smem:$0x3FB6]  }
0x2e: {  	s3 =	simm.s32 @!p0 $0x1082;
	s9 =	sld [smem:$0x3FB7]  }
0x2f: {  	lr =	sadd.s32 s0, s3;
	s0 =	sld [smem:$0x3FAE]  }
0x30: {  	s3 =	sld [smem:$0x3FB1]  }
0x31: {  	[smem:$0x3FBA] =	sst s10  }
0x32: {  	s10 =	sld [smem:$0x3FB8];
	_ =	sdelay $0x3  }
0x33: {  	p0 =	seq.s32 s10, $0x1;
	s10 =	sld [smem:$0x3FBA];
	_ =	sdelay $0x3  }
0x34: {  	[smem:$0x3FBA] =	sst s10  }
0x35: {  	s10 =	sld [smem:$0x3FB9];
	_ =	sdelay $0x3  }
0x36: {  	p1 =	seq.s32 s10, $0x1;
	s10 =	sld [smem:$0x3FBA];
	_ =	sdelay $0x3  }
0x37: {  	[smem:$0x3FBA] =	sst s10  }
0x38: {  	s10 =	sld [smem:$0x3FBB]  }
0x39: {  	_ = 	snop;
	(pc) =	sbr.ind lr, $3  }
0x3a: {  	_ = 	snop  }
0x3b: {  	_ = 	snop  }
0x3c: {  	p2 =	seq.s32 s10, $0x1;
	s10 =	sld [smem:$0x3FBA]  }
0x3d: {  	_ =	shalt  }
0x3e: {  	_ =	shalt  }
0x3f: {  	_ =	shalt  }
0x40: {  	_ =	shalt  }
0x41: {  	_ =	shalt  }
0x42: {  	_ =	shalt  }
0x43: {  	_ =	shalt  }
0x44: {  	_ =	shalt  }
0x45: {  	_ =	shalt  }
0x46: {  	_ =	shalt  }
0x47: {  	_ =	shalt  }
0x48: {  	_ =	shalt  }
0x49: {  	_ =	shalt  }
0x4a: {  	_ =	shalt  }
0x4b: {  	_ =	shalt  }
0x4c: {  	_ =	shalt  }
0x4d: {  	_ =	shalt  }
0x4e: {  	_ =	shalt  }
0x4f: {  	_ =	shalt  }
0x50: {  	_ =	shalt  }
0x51: {  	_ =	shalt  }
0x52: {  	_ =	shalt  }
0x53: {  	_ =	shalt  }
0x54: {  	_ =	shalt  }
0x55: {  	_ =	shalt  }
0x56: {  	_ =	shalt  }
0x57: {  	_ =	shalt  }
0x58: {  	_ =	shalt  }
0x59: {  	_ =	shalt  }
0x5a: {  	_ =	shalt  }
0x5b: {  	_ =	shalt  }
0x5c: {  	_ =	shalt  }
0x5d: {  	_ =	shalt  }
0x5e: {  	_ =	shalt  }
0x5f: {  	_ =	shalt  }
0x60: {  	_ =	shalt  }
0x61: {  	_ =	shalt  }
0x62: {  	_ =	shalt  }
0x63: {  	_ =	shalt  }
0x64: {  	_ =	shalt  }
0x65: {  	_ =	shalt  }
0x66: {  	_ =	shalt  }
0x67: {  	_ =	shalt  }
0x68: {  	_ =	shalt  }
0x69: {  	_ =	shalt  }
0x6a: {  	_ =	shalt  }
0x6b: {  	_ =	shalt  }
0x6c: {  	_ =	shalt  }
0x6d: {  	_ =	shalt  }
0x6e: {  	_ =	shalt  }
0x6f: {  	_ =	shalt  }
0x70: {  	_ =	shalt  }
0x71: {  	_ =	shalt  }
0x72: {  	_ =	shalt  }
0x73: {  	_ =	shalt  }
0x74: {  	_ =	shalt  }
0x75: {  	_ =	shalt  }
0x76: {  	_ =	shalt  }
0x77: {  	_ =	shalt  }
0x78: {  	_ =	shalt  }
0x79: {  	_ =	shalt  }
0x7a: {  	_ =	shalt  }
0x7b: {  	_ =	shalt  }
0x7c: {  	_ =	shalt  }
0x7d: {  	_ =	shalt  }
0x7e: {  	_ =	shalt  }
0x7f: {  	_ =	shalt  }
0x80: {  	_ =	shalt  }
0x81: {  	_ =	shalt  }
0x82: {  	_ =	shalt  }
0x83: {  	_ =	shalt  }
0x84: {  	_ =	shalt  }
0x85: {  	_ =	shalt  }
0x86: {  	_ =	shalt  }
0x87: {  	_ =	shalt  }
.Lfunc_end0:
.L_simem_size_0:
called_computation_lowered:
.L_overlay_start_0:
0x88: {  	s0 =	sld [smem:$0x3FD9]  }
0x89: {  	s1 =	sld [smem:$0x3FFE];
	_ =	sdelay $0x3  }
0x8a: {  	s0 =	sadd.s32 s1, s0  }
0x8b: {  	[smem:$0x3FC6] =	sst s0  }
0x8c: {  	_ = 	snop  }
0x8d: {  	s0 =	sld [smem:$0x3FC9]  }
0x8e: {  	s17 =	sld [smem:$0x3FC8]  }
0x8f: {  	s2 =	sld [smem:$0x3FD0];
	(tm) =	ssettm $0x1  }
0x90: {  	s3 =	sld [smem:$0x3FFB];
	_ =	sdelay $0x3  }
0x91: {  	_ =	strace s3  }
0x92: {  	s3 =	sld [smem:$0x3FFC];
	_ =	sdelay $0x3  }
0x93: {  	_ =	strace s3  }
0x94: {  	s3 =	sld [smem:$0x3FFD];
	_ =	sdelay $0x3  }
0x95: {  	_ =	strace s3  }
0x96: {  	_ =	strace $0x8FFFFFFF  }
0x97: {  	s18 =	sld [smem:$0x3FDB];
	_ =	sdelay $0x1  }
0x98: {  	s4 =	simm.s32 $_scs_section_size  }
0x99: {  	s5 =	simm.s32 $_size__tile_overlayer_lowered;
	s6 =	simm.s32 $_tile_overlayer_lowered  }
0x9a: {  	s21 =	simm.s32 $0x1BFF;
	s20 =	sshll.u32 s6, $0x1;
	s3 =	sadd.s32 s4, s18  }
0x9b: {  	s7 =	simm.s32 $0x0;
	s19 =	sshll.u32 s5, $0x1;
	s5 =	sadd.s32 s20, s3  }
0x9c: {  	[timem:s7], [sflag:s21] =	dma.local [hbm:s5], s19  }
0x9d: {  	_ =	swait.ge [sflag:s21], s19  }
0x9e: {  	s4 =	ssub.s32 $0x0, s19;
	[sflag:s21] =	ssyncset.done $0x0  }
0x9f: {  	[sflag:s21] =	ssyncadd.s32 s4;
	_ =	sdelay $0x1  }
0xa0: {  	s22 =	simm.s32 $0x1B8B  }
0xa1: {  	_ =	swait.ge [sflag:s22], $0x1  }
0xa2: {  	[sflag:s22] =	ssyncset.done $0x0  }
0xa3: {  	s23 =	simm.s32 $0x1B8E;
	[sflag:s22] =	ssyncadd.s32 $0xFFFFFFFF  }
0xa4: {  	s24 =	simm.s32 $execute0_lowered;
	[smem:$0x3FD2] =	sst s23  }
0xa5: {  	s4 =	sshll.u32 s24, $0x1;
	_ =	strace $0x80000046;
	[dreg:$0x1] =	wrdreg $0xFFFFFFFF  }
0xa6: {  	s25 =	simm.s32 $_size_execute0_lowered;
	s3 =	sadd.s32 s3, s4;
	[dreg:$0x0] =	wrdreg $0x0  }
0xa7: {  	s4 =	sshll.u32 s25, $0x1;
	[dreg:$0x2] =	wrdreg s3  }
0xa8: {  	[dreg:$0x3] =	wrdreg s4  }
0xa9: {  	[dreg:$0x4] =	wrdreg $0xC0  }
0xaa: {  	_ =	task [dreg:s7], $0x5FFFF  }
0xab: {  	[dreg:$0x1] =	wrdreg $0xFFFFFFFF  }
0xac: {  	[dreg:$0x0] =	wrdreg $0x60  }
0xad: {  	[dreg:$0x2] =	wrdreg s0  }
0xae: {  	[dreg:$0x3] =	wrdreg s17  }
0xaf: {  	[dreg:$0x4] =	wrdreg s2  }
0xb0: {  	[dreg:$0x5] =	wrdreg $0x9  }
0xb1: {  	_ =	task.clear_ibuf [dreg:s7], $0x6FFFF;
	_ =	strace $0x90000046  }
0xb2: {  	s26 =	simm.s32 $0x9;
	_ =	strace $0x80000048  }
0xb3: {  	_ =	swait.ge [sflag:s26], $0x1  }
0xb4: {  	[sflag:s26] =	ssyncadd.s32 $0xFFFFFFFF  }
0xb5: {  	_ =	strace $0x90000048  }
0xb6: {  	_ =	sfence  }
0xb7: {  	s28 =	sld [smem:$0x0];
	_ =	sdelay $0x1  }
0xb8: {  	s29 =	srdreg.scid  }
0xb9: {  	s30 =	sshll.u32 s29, $0xD;
	s31 =	sshrl.u32 s29, $0x2  }
0xba: {  	s1 =	sand.u32 $0x1, s29;
	s2 =	sand.u32 $0x4000, s30;
	s0 =	sadd.s32 s31, s28  }
0xbb: {  	s1 =	sor.u32 s2, s1;
	s0 =	sshll.u32 s0, $0x11  }
0xbc: {  	s0 =	sor.u32 s0, s1  }
0xbd: {  	s0 =	sadd.s32 $0x8F2B, s0  }
0xbe: {  	[sflag:s0] =	ssyncadd.remote.s32 $0x1  }
0xbf: {  	_ =	sfence.sel $0xFFFF  }
0xc0: {  	[dreg:$0x0] =	wrdreg $0xFFFFFFFF;
	(pc) =	sbr.abs _section_cstart, $3  }
0xc1: {  	[dreg:$0x1] =	wrdreg $0xFFFFFFFF  }
0xc2: {  	_ =	task.clear_ibuf [dreg:s7], $0x2FFFF;
	_ =	strace $0x9FFFFFFF  }
0xc3: {  	(tm) =	ssettm $0x7FFFFFFF  }
tec
execute0_lowered:
.L_overlay_start_1:
0x0: {  	(tag) =	ssettag $0x1  }
0x1: {  	s3 =	rddreg [dreg:$0x0]  }
0x2: {  	s2 =	rddreg [dreg:$0x1]  }
0x3: {  	s1 =	rddreg [dreg:$0x2];
	s4 =	stileid.u32  }
0x4: {  	s0 =	rddreg [dreg:$0x3];
	_ =	strace $0x80000047;
	p0 =	sne.s32 s4, $0x0  }
0x5: {  	_ =	sfence.sel @p0 $0x180000  }
0x6: {  	[bflag:$0x0] =	sbarrier.arrive @p0 $0xFFFF  }
0x7: {  	_ =	strace @p0 $0x90000047  }
0x8: {  	[bflag:$0x2] =	sbarrier.arrive @p0 $0xFFFF  }
0x9: {  	_ =	shalt @p0  }
.LBB2_1:
0xa: {  	s4 =	simm.s32 $0x0;
	s26 =	simm.s32 $0x2  }
0xb: {  	[tilespmem:s4], [sflag:$0x2] =	stream.linear.gather [hbm4b:s3+s4], $0x7, $0x38;
	[tilespmem:$0x100] =	vst v63  }
0xc: {  	_ =	swait.ge [sflag:s26], $0x7  }
0xd: {  	[sflag:s26] =	ssyncset.done $0x0  }
0xe: {  	[sflag:s26] =	ssyncadd.s32 $0xFFFFFFF9  }
0xf: {  	v0 =	vld [tilespmem:$0x0];
	_ =	sdelay $0x4  }
0x10: {  	(v2sf) =	vpush v0, $0x0  }
0x11: {  	(v2sf) =	vpush v0, $0x1  }
0x12: {  	(v2sf) =	vpush v0, $0x2  }
0x13: {  	(v2sf) =	vpush v0, $0x3  }
0x14: {  	(v2sf) =	vpush v0, $0x4  }
0x15: {  	(v2sf) =	vpush v0, $0x5;
	_ =	sdelay $0x2  }
0x16: {  	(v2sf) =	vpush v0, $0x6;
	_ =	sdelay $0x6  }
0x17: {  	s12 =	simm.s32 $0x1;
	s5 =	spop (v2sf)  }
0x18: {  	s13 =	simm.s32 $0x2;
	s14 =	simm.s32 $0x4;
	s6 =	spop (v2sf)  }
0x19: {  	s15 =	simm.s32 $0x8;
	s7 =	spop (v2sf);
	p0 =	seq.s32 s6, s5  }
0x1a: {  	s8 =	spop (v2sf);
	s12 =	simm.s32 @!p0 $0x0;
	p0 =	seq.s32 s7, s5  }
0x1b: {  	s9 =	spop (v2sf);
	s13 =	simm.s32 @!p0 $0x0;
	p0 =	seq.s32 s7, s6  }
0x1c: {  	p1 =	seq.s32 s8, s6;
	p5 =	seq.s32 s8, s7;
	s10 =	spop (v2sf)  }
0x1d: {  	s14 =	simm.s32 @!p0 $0x0;
	p0 =	seq.s32 s8, s5;
	p2 =	seq.s32 s9, s5  }
0x1e: {  	p6 =	seq.s32 s9, s6;
	s12 =	sor.u32 s12, s13;
	s13 =	simm.s32 $0x40  }
0x1f: {  	s11 =	spop (v2sf);
	s15 =	simm.s32 @!p0 $0x0;
	p4 =	seq.s32 s10, s5  }
0x20: {  	p3 =	seq.s32 s10, s6;
	s12 =	sor.u32 s14, s12;
	s14 =	simm.s32 $0x80  }
0x21: {  	s13 =	simm.s32 @!p2 $0x0;
	p0 =	seq.s32 s11, s5;
	s14 =	simm.s32 @!p6 $0x0  }
0x22: {  	p6 =	seq.s32 s9, s7;
	p2 =	seq.s32 s11, s7;
	s5 =	simm.s32 @!p0 $0x0  }
0x23: {  	s28 =	sor.u32 s15, s12;
	s12 =	simm.s32 $0x100;
	s5 =	simm.s32 @p0 $0x1  }
0x24: {  	s12 =	simm.s32 @!p6 $0x0;
	[smem:$0x7FD] =	sst s5;
	s5 =	simm.s32 $0x10  }
0x25: {  	s5 =	simm.s32 @!p1 $0x0;
	p1 =	seq.s32 s11, s6;
	s6 =	simm.s32 $0x20  }
0x26: {  	p6 =	seq.s32 s9, s8;
	p0 =	seq.s32 s10, s9;
	s6 =	simm.s32 @!p5 $0x0  }
0x27: {  	p5 =	seq.s32 s10, s7;
	s5 =	sor.u32 s5, s28;
	s7 =	simm.s32 $0x200  }
0x28: {  	s5 =	sor.u32 s6, s5;
	s6 =	simm.s32 $0x400;
	s7 =	simm.s32 @!p6 $0x0  }
0x29: {  	p6 =	seq.s32 s10, s8;
	s5 =	sor.u32 s13, s5;
	s6 =	simm.s32 @!p4 $0x0  }
0x2a: {  	p4 =	seq.s32 s11, s8;
	s8 =	simm.s32 $0x800;
	s5 =	sadd.s32 s14, s5  }
0x2b: {  	s29 =	sld [smem:$0x7FD];
	s8 =	simm.s32 @!p3 $0x0;
	s5 =	sadd.s32 s12, s5  }
0x2c: {  	p3 =	seq.s32 s11, s10;
	s12 =	simm.s32 $0x1000;
	s5 =	sadd.s32 s7, s5  }
0x2d: {  	s12 =	simm.s32 @!p5 $0x0;
	p5 =	seq.s32 s11, s9;
	s5 =	sadd.s32 s6, s5  }
0x2e: {  	s7 =	simm.s32 $0x4000;
	s6 =	simm.s32 $0x2000;
	s5 =	sadd.s32 s8, s5  }
0x2f: {  	s7 =	simm.s32 @!p0 $0x0;
	s6 =	simm.s32 @!p6 $0x0;
	s5 =	sadd.s32 s12, s5  }
0x30: {  	p0 =	seq.s32 s29, $0x1;
	s5 =	sadd.s32 s6, s5;
	s6 =	simm.s32 $0x8000  }
0x31: {  	s6 =	simm.s32 @!p0 $0x0;
	s5 =	sadd.s32 s7, s5;
	s7 =	simm.s32 $0x10000  }
0x32: {  	s7 =	simm.s32 @!p1 $0x0;
	s5 =	sadd.s32 s6, s5;
	s6 =	simm.s32 $0x20000  }
0x33: {  	s6 =	simm.s32 @!p2 $0x0;
	s5 =	sadd.s32 s7, s5;
	s7 =	simm.s32 $0x40000  }
0x34: {  	s7 =	simm.s32 @!p4 $0x0;
	s5 =	sadd.s32 s6, s5;
	s6 =	simm.s32 $0x80000  }
0x35: {  	s6 =	simm.s32 @!p5 $0x0;
	s5 =	sadd.s32 s7, s5;
	s7 =	simm.s32 $0x100000  }
0x36: {  	s5 =	sadd.s32 s6, s5;
	s7 =	simm.s32 @!p3 $0x0  }
0x37: {  	s5 =	sadd.s32 s7, s5  }
0x38: {  	v63 =	vmov s5;
	_ =	sdelay $0x3  }
0x39: {  	s30 =	simm.s32 $0x80;
	vm0 =	vmmov $0xffff;
	s31 =	simm.s32 $0x1  }
0x3a: {  	[tilespmem:s30], [sflag:$0x1] =	stream.indirect_vreg.gather [hbm4b:s2+s4], $0x1, v63, vm0, $0xb8;
	[tilespmem:$0x100] =	vst v63  }
0x3b: {  	_ =	swait.ge [sflag:s31], $0x10  }
0x3c: {  	[sflag:s31] =	ssyncset.done $0x0  }
0x3d: {  	[sflag:s31] =	ssyncadd.s32 $0xFFFFFFF0  }
0x3e: {  	[hbm4b:s1+s4] =	stream.linear.scatter [tilespmem:s30], [sflag:$0x2], $0x1, $0x38;
	[tilespmem:$0x100] =	vst v63  }
0x3f: {  	_ =	swait.ge [sflag:s26], $0x1  }
0x40: {  	[sflag:s26] =	ssyncset.done $0x0  }
0x41: {  	[sflag:s26] =	ssyncadd.s32 $0xFFFFFFFF  }
0x42: {  	_ =	sfence.sel $0x180000  }
0x43: {  	[bflag:$0x0] =	sbarrier.arrive $0xFFFF  }
0x44: {  	_ =	strace $0x90000047  }
0x45: {  	s0 =	sadd.s32 $0x100000, s0;
	[bflag:$0x2] =	sbarrier.arrive $0xFFFF  }
0x46: {  	[sflag:s0] =	ssyncadd.tile.s32 $0x1;
	_ =	shalt  }
.Lfunc_end2:
_tile_overlayer_lowered:
.L_overlay_start_2:
0x47: {  	(tag) =	ssettag $0x2  }
0x48: {  	s0 =	rddreg [dreg:$0x0];
	s2 =	stileid.u32  }
0x49: {  	s1 =	rddreg [dreg:$0x1];
	p0 =	sne.s32 s2, $0x0  }
0x4a: {  	s3 =	rddreg [dreg:$0x2];
	[bflag:$0x3] =	sbarrier.arrive $0xFFFF;
	s2 =	simm.s32 @!p0 $0x1C02  }
0x4b: {  	[timem:s3], [sflag:s2] =	dma.local @!p0 [hbm:s0], s1  }
0x4c: {  	s0 =	simm.s32 @!p0 $0x2  }
0x4d: {  	_ =	swait.ge @!p0 [sflag:s0], s1  }
0x4e: {  	s1 =	ssub.s32 @!p0 $0x0, s1;
	[sflag:s0] =	ssyncset.done @!p0 $0x0  }
0x4f: {  	[sflag:s0] =	ssyncadd.s32 @!p0 s1  }
0x50: {  	[bflag:$0x3] =	sbarrier.arrive $0xFFFF  }
0x51: {  	_ =	shalt  }

</sc_bundles>
